<compile_context>
chip_gen: v7x
topology: tpu7x:2x2x1
jax: 0.10.2.dev20260603
libtpu: 0.0.44.dev20260713+nightly
codegen_flags: <defaults>
</compile_context>

<pallas_src>
import jax
import jax.numpy as jnp
from jax.experimental import pallas as pl
from jax.experimental.pallas import tpu as pltpu

_N = 20000
_C = 81
_K = 2000
_W, _H = 1333, 800
_SCORE_THRESH = 0.05
_NMS_THRESH = 0.5

_KP = 2048
_ROWS, _LANES = 16, 128
_BN = 2000


def _softmax_mask_kernel(x_ref, s_ref):
    x = x_ref[...]
    m = jnp.max(x, axis=-1, keepdims=True)
    e = jnp.exp(x - m)
    p = e / jnp.sum(e, axis=-1, keepdims=True)
    col = jax.lax.broadcasted_iota(jnp.int32, x.shape, 1)
    s_ref[...] = jnp.where((p > _SCORE_THRESH) & (col != 0), p, -1.0)


def _nms_kernel(x1_ref, y1_ref, x2_ref, y2_ref, s_ref, lab_ref,
                ox1_ref, oy1_ref, ox2_ref, oy2_ref, os_ref, olab_ref,
                okeep_ref, keep_r):
    cx1 = jnp.clip(x1_ref[...], 0.0, _W - 1.0)
    cy1 = jnp.clip(y1_ref[...], 0.0, _H - 1.0)
    cx2 = jnp.clip(x2_ref[...], 0.0, _W - 1.0)
    cy2 = jnp.clip(y2_ref[...], 0.0, _H - 1.0)
    s = s_ref[...]
    lab = lab_ref[...]
    off = lab.astype(jnp.float32) * (_W + _H + 2.0)
    bx1 = cx1 + off
    by1 = cy1 + off
    bx2 = cx2 + off
    by2 = cy2 + off
    area = jnp.maximum(bx2 - bx1, 0.0) * jnp.maximum(by2 - by1, 0.0)
    keep_r[...] = (s > _SCORE_THRESH).astype(jnp.float32)
    gidx = (jax.lax.broadcasted_iota(jnp.int32, (_ROWS, _LANES), 0) * _LANES
            + jax.lax.broadcasted_iota(jnp.int32, (_ROWS, _LANES), 1))

    def body(i, carry):
        maskf = (gidx == i).astype(jnp.float32)
        keepv = keep_r[...]
        ki = jnp.sum(keepv * maskf)
        xi1 = jnp.sum(bx1 * maskf)
        yi1 = jnp.sum(by1 * maskf)
        xi2 = jnp.sum(bx2 * maskf)
        yi2 = jnp.sum(by2 * maskf)
        ai = jnp.sum(area * maskf)
        iw = jnp.maximum(jnp.minimum(bx2, xi2) - jnp.maximum(bx1, xi1), 0.0)
        ih = jnp.maximum(jnp.minimum(by2, yi2) - jnp.maximum(by1, yi1), 0.0)
        inter = iw * ih
        union = ai + area - inter
        iou = inter / jnp.maximum(union, 1e-8)
        sup = jnp.where((iou > _NMS_THRESH) & (gidx > i), ki, 0.0)
        keep_r[...] = keepv * (1.0 - sup)
        return carry

    jax.lax.fori_loop(0, _K, body, 0)
    keep = keep_r[...] > 0.5
    ox1_ref[...] = jnp.where(keep, cx1, 0.0)
    oy1_ref[...] = jnp.where(keep, cy1, 0.0)
    ox2_ref[...] = jnp.where(keep, cx2, 0.0)
    oy2_ref[...] = jnp.where(keep, cy2, 0.0)
    os_ref[...] = jnp.where(keep, s, 0.0)
    olab_ref[...] = jnp.where(keep, lab, 0)
    okeep_ref[...] = keep.astype(jnp.float32)


def _scores(x):
    return pl.pallas_call(
        _softmax_mask_kernel,
        out_shape=jax.ShapeDtypeStruct((_N, _C), jnp.float32),
        grid=(_N // _BN,),
        in_specs=[pl.BlockSpec((_BN, _C), lambda i: (i, 0))],
        out_specs=pl.BlockSpec((_BN, _C), lambda i: (i, 0)),
    )(x)


def _tile_f(v, fill):
    return jnp.pad(v, (0, _KP - _K), constant_values=fill).reshape(
        _ROWS, _LANES)


_M = 19


def kernel(x, boxes):
    s = _scores(x)
    vals, cols = jax.lax.top_k(s, _M)
    top_s, pos = jax.lax.top_k(vals.reshape(-1), _K)
    box_idx = pos // _M
    lab = jnp.take(cols.reshape(-1), pos)
    cand = jnp.take(boxes, box_idx, axis=0)

    x1 = _tile_f(cand[:, 0], 0.0)
    y1 = _tile_f(cand[:, 1], 0.0)
    x2 = _tile_f(cand[:, 2], 0.0)
    y2 = _tile_f(cand[:, 3], 0.0)
    st = _tile_f(top_s, -1.0)
    labt = jnp.pad(lab, (0, _KP - _K)).reshape(_ROWS, _LANES)

    f32 = jax.ShapeDtypeStruct((_ROWS, _LANES), jnp.float32)
    i32 = jax.ShapeDtypeStruct((_ROWS, _LANES), jnp.int32)
    outs = pl.pallas_call(
        _nms_kernel,
        out_shape=(f32, f32, f32, f32, f32, i32, f32),
        scratch_shapes=[pltpu.VMEM((_ROWS, _LANES), jnp.float32)],
    )(x1, y1, x2, y2, st, labt)
    fx1, fy1, fx2, fy2, fs, flab, fkeep = (
        o.reshape(-1)[:_K] for o in outs)
    dets = jnp.stack([fx1, fy1, fx2, fy2, fs], axis=1)
    labels_out = flab
    keep = fkeep > 0.5
    return dets, labels_out, keep

# --- scband reference (transcript-rebuilt; emitter-appended) ---
"""Pipeline reference for scband-clspost-processor-19937238188275 (READ-ONLY COPY).

The authoritative reference and input builder live on the scoring server;
editing this copy changes nothing except your own understanding.
"""

import jax, jax.numpy as jnp
import numpy as np
from functools import partial

N = 20000          # proposals in the single image
C = 81             # num classes (class 0 = background)
K = 2000           # fixed pre-NMS candidate count (fixed shapes for jit)
W, H = 1333, 800   # image (width, height)
SCORE_THRESH = 0.05
NMS_THRESH = 0.5


def setup_inputs(seed: int = 0) -> dict:
    key = jax.random.key(seed)
    k1, k2, k3 = jax.random.split(key, 3)
    # class logits [N, C]
    x = jax.random.normal(k1, (N, C), dtype=jnp.float32) * 2.0
    # valid xyxy boxes inside a 1333x800 image
    xy = jax.random.uniform(k2, (N, 2), dtype=jnp.float32) * jnp.array([W * 0.9, H * 0.9], dtype=jnp.float32)
    wh = jax.random.uniform(k3, (N, 2), dtype=jnp.float32) * 120.0 + 4.0
    boxes = jnp.concatenate([xy, xy + wh], axis=1)
    return {"x": x, "boxes": boxes}


def _pairwise_iou(b):
    x1, y1, x2, y2 = b[:, 0], b[:, 1], b[:, 2], b[:, 3]
    area = jnp.maximum(x2 - x1, 0.0) * jnp.maximum(y2 - y1, 0.0)
    ix1 = jnp.maximum(x1[:, None], x1[None, :])
    iy1 = jnp.maximum(y1[:, None], y1[None, :])
    ix2 = jnp.minimum(x2[:, None], x2[None, :])
    iy2 = jnp.minimum(y2[:, None], y2[None, :])
    iw = jnp.maximum(ix2 - ix1, 0.0)
    ih = jnp.maximum(iy2 - iy1, 0.0)
    inter = iw * ih
    union = area[:, None] + area[None, :] - inter
    return inter / jnp.maximum(union, 1e-8)


def reference(x, boxes):
    # softmax over classes, as in F.softmax(class_logits, -1)
    prob = jax.nn.softmax(x, axis=-1)
    scores = prob.reshape(-1)                       # [N*C]
    # concat_boxes.repeat(1, C).reshape(-1, 4): each box repeated C times
    props = jnp.repeat(boxes, C, axis=0)            # [N*C, 4]
    # clip_to_image (xyxy, TO_REMOVE=1 semantics: clamp to [0, dim-1])
    px1 = jnp.clip(props[:, 0], 0.0, W - 1.0)
    py1 = jnp.clip(props[:, 1], 0.0, H - 1.0)
    px2 = jnp.clip(props[:, 2], 0.0, W - 1.0)
    py2 = jnp.clip(props[:, 3], 0.0, H - 1.0)
    props = jnp.stack([px1, py1, px2, py2], axis=1)
    # labels = tile(arange(C), N); fg mask drops background (label 0)
    labels = jnp.tile(jnp.arange(C, dtype=jnp.int32), N)
    fg = labels != 0
    mask = (scores > SCORE_THRESH) & fg
    s = jnp.where(mask, scores, -1.0)
    # multi-class (batched) NMS via per-class coordinate offsets
    offset = labels.astype(jnp.float32) * (W + H + 2.0)
    props_off = props + offset[:, None]
    # fixed-size candidate selection (threshold already encoded as -1 scores)
    top_s, idx = jax.lax.top_k(s, K)
    cand = jnp.take(props, idx, axis=0)
    cand_off = jnp.take(props_off, idx, axis=0)
    cand_lab = jnp.take(labels, idx, axis=0)
    iou = _pairwise_iou(cand_off)
    valid = top_s > SCORE_THRESH
    rng = jnp.arange(K)

    def body(i, keep):
        sup = (iou[i] > NMS_THRESH) & keep[i] & (rng > i)
        return keep & (~sup)

    keep = jax.lax.fori_loop(0, K, body, valid)
    dets = jnp.concatenate(
        [jnp.where(keep[:, None], cand, 0.0), jnp.where(keep, top_s, 0.0)[:, None]],
        axis=1,
    )                                              # [K, 5] = kept xyxy + score
    labels_out = jnp.where(keep, cand_lab, 0)      # [K]
    return dets, labels_out, keep

if __name__ == "__main__":
    import jax
    _d = setup_inputs()
    print(jax.jit(kernel)(*tuple(_d.values())))

</pallas_src>

<mosaic_0001>
module attributes {stable_mosaic.version = 14 : i64} {
  func.func @_softmax_mask_kernel(%arg0: i32, %arg1: memref<2000x81xf32, #tpu.memory_space<vmem>>, %arg2: memref<2000x81xf32, #tpu.memory_space<vmem>>) attributes {dimension_semantics = [#tpu.dimension_semantics<arbitrary>], iteration_bounds = array<i64: 10>, scalar_prefetch = 0 : i64, scratch_operands = 0 : i64, tpu.core_type = #tpu.core_type<tc>, window_params = [{transform_indices = @transform_0, window_bounds = array<i64: 2000, 81>}, {transform_indices = @transform_1, window_bounds = array<i64: 2000, 81>}]} {
    %get3A = arith.constant 0 : index
    %get3A_0 = arith.constant 0 : index
    %get3A_1 = vector.load %arg1[%get3A, %get3A_0] : memref<2000x81xf32, #tpu.memory_space<vmem>>, vector<2000x81xf32>
    %reduce_max3A = arith.constant dense<0xFF800000> : vector<2000xf32>
    %reduce_max3A_2 = vector.multi_reduction <maximumf>, %get3A_1, %reduce_max3A [1] : vector<2000x81xf32> to vector<2000xf32>
    %broadcast_in_dim3A = vector.shape_cast %reduce_max3A_2 : vector<2000xf32> to vector<2000x1xf32>
    %sub3A = vector.broadcast %broadcast_in_dim3A : vector<2000x1xf32> to vector<2000x81xf32>
    %sub3A_3 = arith.subf %get3A_1, %sub3A : vector<2000x81xf32>
    %exp3A = math.exp %sub3A_3 : vector<2000x81xf32>
    %reduce_sum3A = arith.constant dense<0.000000e+00> : vector<2000xf32>
    %reduce_sum3A_4 = vector.multi_reduction <add>, %exp3A, %reduce_sum3A [1] : vector<2000x81xf32> to vector<2000xf32>
    %broadcast_in_dim3A_5 = vector.shape_cast %reduce_sum3A_4 : vector<2000xf32> to vector<2000x1xf32>
    %div3A = vector.broadcast %broadcast_in_dim3A_5 : vector<2000x1xf32> to vector<2000x81xf32>
    %div3A_6 = arith.divf %exp3A, %div3A : vector<2000x81xf32>
    %iota3A = tpu.iota {dimensions = array<i32: 1>} : vector<2000x81xi32>
    %gt3A = arith.constant 5.000000e-02 : f32
    %gt3A_7 = vector.broadcast %gt3A : f32 to vector<2000x81xf32>
    %gt3A_8 = arith.cmpf ogt, %div3A_6, %gt3A_7 : vector<2000x81xf32>
    %ne3A = arith.constant 0 : i32
    %ne3A_9 = vector.broadcast %ne3A : i32 to vector<2000x81xi32>
    %ne3A_10 = arith.cmpi ne, %iota3A, %ne3A_9 : vector<2000x81xi32>
    %and3A = arith.andi %gt3A_8, %ne3A_10 : vector<2000x81xi1>
    %jit3A = arith.constant -1.000000e+00 : f32
    %broadcast_in_dim3A_11 = vector.broadcast %jit3A : f32 to vector<2000x81xf32>
    %select_n3A = arith.select %and3A, %div3A_6, %broadcast_in_dim3A_11 : vector<2000x81xi1>, vector<2000x81xf32>
    %swap3A = arith.constant 0 : index
    %swap3A_12 = arith.constant 0 : index
    %swap3A_13 = vector.load %arg2[%swap3A, %swap3A_12] : memref<2000x81xf32, #tpu.memory_space<vmem>>, vector<2000x81xf32>
    tpu.vector_store %arg2[%swap3A, %swap3A_12], %select_n3A {strides = array<i32>} : memref<2000x81xf32, #tpu.memory_space<vmem>>, vector<2000x81xf32>,
    return
  }
  func.func @transform_0(%arg0: i32) -> (i32, i32) {
    %c0_i32 = arith.constant 0 : i32
    %c0_i32_0 = arith.constant 0 : i32
    return %arg0, %c0_i32 : i32, i32
  }
  func.func @transform_1(%arg0: i32) -> (i32, i32) {
    %c0_i32 = arith.constant 0 : i32
    %c0_i32_0 = arith.constant 0 : i32
    return %arg0, %c0_i32 : i32, i32
  }
}

module attributes {stable_mosaic.version = 14 : i64} {
  func.func @_nms_kernel(%arg0: memref<16x128xf32, #tpu.memory_space<vmem>>, %arg1: memref<16x128xf32, #tpu.memory_space<vmem>>, %arg2: memref<16x128xf32, #tpu.memory_space<vmem>>, %arg3: memref<16x128xf32, #tpu.memory_space<vmem>>, %arg4: memref<16x128xf32, #tpu.memory_space<vmem>>, %arg5: memref<16x128xi32, #tpu.memory_space<vmem>>, %arg6: memref<16x128xf32, #tpu.memory_space<vmem>>, %arg7: memref<16x128xf32, #tpu.memory_space<vmem>>, %arg8: memref<16x128xf32, #tpu.memory_space<vmem>>, %arg9: memref<16x128xf32, #tpu.memory_space<vmem>>, %arg10: memref<16x128xf32, #tpu.memory_space<vmem>>, %arg11: memref<16x128xi32, #tpu.memory_space<vmem>>, %arg12: memref<16x128xf32, #tpu.memory_space<vmem>>, %arg13: memref<16x128xf32, #tpu.memory_space<vmem>>) attributes {dimension_semantics = [], scalar_prefetch = 0 : i64, scratch_operands = 1 : i64, tpu.core_type = #tpu.core_type<tc>} {
    %get3A = arith.constant 0 : index
    %get3A_0 = arith.constant 0 : index
    %get3A_1 = vector.load %arg0[%get3A, %get3A_0] : memref<16x128xf32, #tpu.memory_space<vmem>>, vector<16x128xf32>
    %jit3A = arith.constant 0.000000e+00 : f32
    %jit3A_2 = arith.constant 1.332000e+03 : f32
    %max3A = vector.broadcast %jit3A : f32 to vector<16x128xf32>
    %max3A_3 = arith.maximumf %max3A, %get3A_1 : vector<16x128xf32>
    %min3A = vector.broadcast %jit3A_2 : f32 to vector<16x128xf32>
    %min3A_4 = arith.minimumf %min3A, %max3A_3 : vector<16x128xf32>
    %get3A_5 = arith.constant 0 : index
    %get3A_6 = arith.constant 0 : index
    %get3A_7 = vector.load %arg1[%get3A_5, %get3A_6] : memref<16x128xf32, #tpu.memory_space<vmem>>, vector<16x128xf32>
    %jit3A_8 = arith.constant 0.000000e+00 : f32
    %jit3A_9 = arith.constant 7.990000e+02 : f32
    %max3A_10 = vector.broadcast %jit3A_8 : f32 to vector<16x128xf32>
    %max3A_11 = arith.maximumf %max3A_10, %get3A_7 : vector<16x128xf32>
    %min3A_12 = vector.broadcast %jit3A_9 : f32 to vector<16x128xf32>
    %min3A_13 = arith.minimumf %min3A_12, %max3A_11 : vector<16x128xf32>
    %get3A_14 = arith.constant 0 : index
    %get3A_15 = arith.constant 0 : index
    %get3A_16 = vector.load %arg2[%get3A_14, %get3A_15] : memref<16x128xf32, #tpu.memory_space<vmem>>, vector<16x128xf32>
    %jit3A_17 = arith.constant 0.000000e+00 : f32
    %jit3A_18 = arith.constant 1.332000e+03 : f32
    %max3A_19 = vector.broadcast %jit3A_17 : f32 to vector<16x128xf32>
    %max3A_20 = arith.maximumf %max3A_19, %get3A_16 : vector<16x128xf32>
    %min3A_21 = vector.broadcast %jit3A_18 : f32 to vector<16x128xf32>
    %min3A_22 = arith.minimumf %min3A_21, %max3A_20 : vector<16x128xf32>
    %get3A_23 = arith.constant 0 : index
    %get3A_24 = arith.constant 0 : index
    %get3A_25 = vector.load %arg3[%get3A_23, %get3A_24] : memref<16x128xf32, #tpu.memory_space<vmem>>, vector<16x128xf32>
    %jit3A_26 = arith.constant 0.000000e+00 : f32
    %jit3A_27 = arith.constant 7.990000e+02 : f32
    %max3A_28 = vector.broadcast %jit3A_26 : f32 to vector<16x128xf32>
    %max3A_29 = arith.maximumf %max3A_28, %get3A_25 : vector<16x128xf32>
    %min3A_30 = vector.broadcast %jit3A_27 : f32 to vector<16x128xf32>
    %min3A_31 = arith.minimumf %min3A_30, %max3A_29 : vector<16x128xf32>
    %get3A_32 = arith.constant 0 : index
    %get3A_33 = arith.constant 0 : index
    %get3A_34 = vector.load %arg4[%get3A_32, %get3A_33] : memref<16x128xf32, #tpu.memory_space<vmem>>, vector<16x128xf32>
    %get3A_35 = arith.constant 0 : index
    %get3A_36 = arith.constant 0 : index
    %get3A_37 = vector.load %arg5[%get3A_35, %get3A_36] : memref<16x128xi32, #tpu.memory_space<vmem>>, vector<16x128xi32>
    %convert_element_type3A = arith.sitofp %get3A_37 : vector<16x128xi32> to vector<16x128xf32>
    %mul3A = arith.constant 2.135000e+03 : f32
    %mul3A_38 = vector.broadcast %mul3A : f32 to vector<16x128xf32>
    %mul3A_39 = arith.mulf %convert_element_type3A, %mul3A_38 : vector<16x128xf32>
    %add3A = arith.addf %min3A_4, %mul3A_39 : vector<16x128xf32>
    %add3A_40 = arith.addf %min3A_13, %mul3A_39 : vector<16x128xf32>
    %add3A_41 = arith.addf %min3A_22, %mul3A_39 : vector<16x128xf32>
    %add3A_42 = arith.addf %min3A_31, %mul3A_39 : vector<16x128xf32>
    %sub3A = arith.subf %add3A_41, %add3A : vector<16x128xf32>
    %max3A_43 = arith.constant 0.000000e+00 : f32
    %max3A_44 = vector.broadcast %max3A_43 : f32 to vector<16x128xf32>
    %max3A_45 = arith.maximumf %sub3A, %max3A_44 : vector<16x128xf32>
    %sub3A_46 = arith.subf %add3A_42, %add3A_40 : vector<16x128xf32>
    %max3A_47 = arith.constant 0.000000e+00 : f32
    %max3A_48 = vector.broadcast %max3A_47 : f32 to vector<16x128xf32>
    %max3A_49 = arith.maximumf %sub3A_46, %max3A_48 : vector<16x128xf32>
    %mul3A_50 = arith.mulf %max3A_45, %max3A_49 : vector<16x128xf32>
    %gt3A = arith.constant 5.000000e-02 : f32
    %gt3A_51 = vector.broadcast %gt3A : f32 to vector<16x128xf32>
    %gt3A_52 = arith.cmpf ogt, %get3A_34, %gt3A_51 : vector<16x128xf32>
    %convert_element_type3A_53 = arith.extui %gt3A_52 : vector<16x128xi1> to vector<16x128xi32>
    %convert_element_type3A_54 = arith.sitofp %convert_element_type3A_53 : vector<16x128xi32> to vector<16x128xf32>
    %swap3A = arith.constant 0 : index
    %swap3A_55 = arith.constant 0 : index
    %swap3A_56 = vector.load %arg13[%swap3A, %swap3A_55] : memref<16x128xf32, #tpu.memory_space<vmem>>, vector<16x128xf32>
    tpu.vector_store %arg13[%swap3A, %swap3A_55], %convert_element_type3A_54 {strides = array<i32>} : memref<16x128xf32, #tpu.memory_space<vmem>>, vector<16x128xf32>,
    %iota3A = tpu.iota {dimensions = array<i32: 0>} : vector<16x128xi32>
    %mul3A_57 = arith.constant 128 : i32
    %mul3A_58 = vector.broadcast %mul3A_57 : i32 to vector<16x128xi32>
    %mul3A_59 = arith.muli %iota3A, %mul3A_58 : vector<16x128xi32>
    %iota3A_60 = tpu.iota {dimensions = array<i32: 1>} : vector<16x128xi32>
    %add3A_61 = arith.addi %mul3A_59, %iota3A_60 : vector<16x128xi32>
    %scan3A = arith.constant 0 : i32
    %scan3A_62 = arith.constant 2000 : i32
    %scan3A_63 = arith.addi %scan3A, %scan3A_62 : i32
    %scan3A_64 = arith.constant 1 : i32
    scf.for %scan3A_111 = %scan3A to %scan3A_63 step %scan3A_64  : i32 {
      %eq3A = vector.broadcast %scan3A_111 : i32 to vector<16x128xi32>
      %eq3A_112 = arith.cmpi eq, %add3A_61, %eq3A : vector<16x128xi32>
      %convert_element_type3A_113 = arith.extui %eq3A_112 : vector<16x128xi1> to vector<16x128xi32>
      %convert_element_type3A_114 = arith.sitofp %convert_element_type3A_113 : vector<16x128xi32> to vector<16x128xf32>
      %get3A_115 = arith.constant 0 : index
      %get3A_116 = arith.constant 0 : index
      %get3A_117 = vector.load %arg13[%get3A_115, %get3A_116] : memref<16x128xf32, #tpu.memory_space<vmem>>, vector<16x128xf32>
      %mul3A_118 = arith.mulf %get3A_117, %convert_element_type3A_114 : vector<16x128xf32>
      %reduce_sum3A = vector.shape_cast %mul3A_118 : vector<16x128xf32> to vector<1x16x128xf32>
      %reduce_sum3A_119 = arith.constant dense<0.000000e+00> : vector<1xf32>
      %reduce_sum3A_120 = vector.multi_reduction <add>, %reduce_sum3A, %reduce_sum3A_119 [1, 2] : vector<1x16x128xf32> to vector<1xf32>
      %reduce_sum3A_121 = vector.shape_cast %reduce_sum3A_120 : vector<1xf32> to vector<1x1x1xf32>
      %reduce_sum3A_122 = vector.extract %reduce_sum3A_121[0, 0, 0] : f32 from vector<1x1x1xf32>
      %mul3A_123 = arith.mulf %add3A, %convert_element_type3A_114 : vector<16x128xf32>
      %reduce_sum3A_124 = vector.shape_cast %mul3A_123 : vector<16x128xf32> to vector<1x16x128xf32>
      %reduce_sum3A_125 = arith.constant dense<0.000000e+00> : vector<1xf32>
      %reduce_sum3A_126 = vector.multi_reduction <add>, %reduce_sum3A_124, %reduce_sum3A_125 [1, 2] : vector<1x16x128xf32> to vector<1xf32>
      %reduce_sum3A_127 = vector.shape_cast %reduce_sum3A_126 : vector<1xf32> to vector<1x1x1xf32>
      %reduce_sum3A_128 = vector.extract %reduce_sum3A_127[0, 0, 0] : f32 from vector<1x1x1xf32>
      %mul3A_129 = arith.mulf %add3A_40, %convert_element_type3A_114 : vector<16x128xf32>
      %reduce_sum3A_130 = vector.shape_cast %mul3A_129 : vector<16x128xf32> to vector<1x16x128xf32>
      %reduce_sum3A_131 = arith.constant dense<0.000000e+00> : vector<1xf32>
      %reduce_sum3A_132 = vector.multi_reduction <add>, %reduce_sum3A_130, %reduce_sum3A_131 [1, 2] : vector<1x16x128xf32> to vector<1xf32>
      %reduce_sum3A_133 = vector.shape_cast %reduce_sum3A_132 : vector<1xf32> to vector<1x1x1xf32>
      %reduce_sum3A_134 = vector.extract %reduce_sum3A_133[0, 0, 0] : f32 from vector<1x1x1xf32>
      %mul3A_135 = arith.mulf %add3A_41, %convert_element_type3A_114 : vector<16x128xf32>
      %reduce_sum3A_136 = vector.shape_cast %mul3A_135 : vector<16x128xf32> to vector<1x16x128xf32>
      %reduce_sum3A_137 = arith.constant dense<0.000000e+00> : vector<1xf32>
      %reduce_sum3A_138 = vector.multi_reduction <add>, %reduce_sum3A_136, %reduce_sum3A_137 [1, 2] : vector<1x16x128xf32> to vector<1xf32>
      %reduce_sum3A_139 = vector.shape_cast %reduce_sum3A_138 : vector<1xf32> to vector<1x1x1xf32>
      %reduce_sum3A_140 = vector.extract %reduce_sum3A_139[0, 0, 0] : f32 from vector<1x1x1xf32>
      %mul3A_141 = arith.mulf %add3A_42, %convert_element_type3A_114 : vector<16x128xf32>
      %reduce_sum3A_142 = vector.shape_cast %mul3A_141 : vector<16x128xf32> to vector<1x16x128xf32>
      %reduce_sum3A_143 = arith.constant dense<0.000000e+00> : vector<1xf32>
      %reduce_sum3A_144 = vector.multi_reduction <add>, %reduce_sum3A_142, %reduce_sum3A_143 [1, 2] : vector<1x16x128xf32> to vector<1xf32>
      %reduce_sum3A_145 = vector.shape_cast %reduce_sum3A_144 : vector<1xf32> to vector<1x1x1xf32>
      %reduce_sum3A_146 = vector.extract %reduce_sum3A_145[0, 0, 0] : f32 from vector<1x1x1xf32>
      %mul3A_147 = arith.mulf %mul3A_50, %convert_element_type3A_114 : vector<16x128xf32>
      %reduce_sum3A_148 = vector.shape_cast %mul3A_147 : vector<16x128xf32> to vector<1x16x128xf32>
      %reduce_sum3A_149 = arith.constant dense<0.000000e+00> : vector<1xf32>
      %reduce_sum3A_150 = vector.multi_reduction <add>, %reduce_sum3A_148, %reduce_sum3A_149 [1, 2] : vector<1x16x128xf32> to vector<1xf32>
      %reduce_sum3A_151 = vector.shape_cast %reduce_sum3A_150 : vector<1xf32> to vector<1x1x1xf32>
      %reduce_sum3A_152 = vector.extract %reduce_sum3A_151[0, 0, 0] : f32 from vector<1x1x1xf32>
      %min3A_153 = vector.broadcast %reduce_sum3A_140 : f32 to vector<16x128xf32>
      %min3A_154 = arith.minimumf %add3A_41, %min3A_153 : vector<16x128xf32>
      %max3A_155 = vector.broadcast %reduce_sum3A_128 : f32 to vector<16x128xf32>
      %max3A_156 = arith.maximumf %add3A, %max3A_155 : vector<16x128xf32>
      %sub3A_157 = arith.subf %min3A_154, %max3A_156 : vector<16x128xf32>
      %max3A_158 = arith.constant 0.000000e+00 : f32
      %max3A_159 = vector.broadcast %max3A_158 : f32 to vector<16x128xf32>
      %max3A_160 = arith.maximumf %sub3A_157, %max3A_159 : vector<16x128xf32>
      %min3A_161 = vector.broadcast %reduce_sum3A_146 : f32 to vector<16x128xf32>
      %min3A_162 = arith.minimumf %add3A_42, %min3A_161 : vector<16x128xf32>
      %max3A_163 = vector.broadcast %reduce_sum3A_134 : f32 to vector<16x128xf32>
      %max3A_164 = arith.maximumf %add3A_40, %max3A_163 : vector<16x128xf32>
      %sub3A_165 = arith.subf %min3A_162, %max3A_164 : vector<16x128xf32>
      %max3A_166 = arith.constant 0.000000e+00 : f32
      %max3A_167 = vector.broadcast %max3A_166 : f32 to vector<16x128xf32>
      %max3A_168 = arith.maximumf %sub3A_165, %max3A_167 : vector<16x128xf32>
      %mul3A_169 = arith.mulf %max3A_160, %max3A_168 : vector<16x128xf32>
      %add3A_170 = vector.broadcast %reduce_sum3A_152 : f32 to vector<16x128xf32>
      %add3A_171 = arith.addf %add3A_170, %mul3A_50 : vector<16x128xf32>
      %sub3A_172 = arith.subf %add3A_171, %mul3A_169 : vector<16x128xf32>
      %max3A_173 = arith.constant 9.99999993E-9 : f32
      %max3A_174 = vector.broadcast %max3A_173 : f32 to vector<16x128xf32>
      %max3A_175 = arith.maximumf %sub3A_172, %max3A_174 : vector<16x128xf32>
      %div3A = arith.divf %mul3A_169, %max3A_175 : vector<16x128xf32>
      %gt3A_176 = arith.constant 5.000000e-01 : f32
      %gt3A_177 = vector.broadcast %gt3A_176 : f32 to vector<16x128xf32>
      %gt3A_178 = arith.cmpf ogt, %div3A, %gt3A_177 : vector<16x128xf32>
      %gt3A_179 = vector.broadcast %scan3A_111 : i32 to vector<16x128xi32>
      %gt3A_180 = arith.cmpi sgt, %add3A_61, %gt3A_179 : vector<16x128xi32>
      %and3A = arith.andi %gt3A_178, %gt3A_180 : vector<16x128xi1>
      %jit3A_181 = arith.constant 0.000000e+00 : f32
      %broadcast_in_dim3A_182 = vector.broadcast %reduce_sum3A_122 : f32 to vector<16x128xf32>
      %broadcast_in_dim3A_183 = vector.broadcast %jit3A_181 : f32 to vector<16x128xf32>
      %select_n3A_184 = arith.select %and3A, %broadcast_in_dim3A_182, %broadcast_in_dim3A_183 : vector<16x128xi1>, vector<16x128xf32>
      %sub3A_185 = arith.constant 1.000000e+00 : f32
      %sub3A_186 = vector.broadcast %sub3A_185 : f32 to vector<16x128xf32>
      %sub3A_187 = arith.subf %sub3A_186, %select_n3A_184 : vector<16x128xf32>
      %mul3A_188 = arith.mulf %get3A_117, %sub3A_187 : vector<16x128xf32>
      %swap3A_189 = arith.constant 0 : index
      %swap3A_190 = arith.constant 0 : index
      %swap3A_191 = vector.load %arg13[%swap3A_189, %swap3A_190] : memref<16x128xf32, #tpu.memory_space<vmem>>, vector<16x128xf32>
      tpu.vector_store %arg13[%swap3A_189, %swap3A_190], %mul3A_188 {strides = array<i32>} : memref<16x128xf32, #tpu.memory_space<vmem>>, vector<16x128xf32>,
    }
    %scan3A_65 = arith.constant 2000 : i32
    %get3A_66 = arith.constant 0 : index
    %get3A_67 = arith.constant 0 : index
    %get3A_68 = vector.load %arg13[%get3A_66, %get3A_67] : memref<16x128xf32, #tpu.memory_space<vmem>>, vector<16x128xf32>
    %gt3A_69 = arith.constant 5.000000e-01 : f32
    %gt3A_70 = vector.broadcast %gt3A_69 : f32 to vector<16x128xf32>
    %gt3A_71 = arith.cmpf ogt, %get3A_68, %gt3A_70 : vector<16x128xf32>
    %jit3A_72 = arith.constant 0.000000e+00 : f32
    %broadcast_in_dim3A = vector.broadcast %jit3A_72 : f32 to vector<16x128xf32>
    %select_n3A = arith.select %gt3A_71, %min3A_4, %broadcast_in_dim3A : vector<16x128xi1>, vector<16x128xf32>
    %swap3A_73 = arith.constant 0 : index
    %swap3A_74 = arith.constant 0 : index
    %swap3A_75 = vector.load %arg6[%swap3A_73, %swap3A_74] : memref<16x128xf32, #tpu.memory_space<vmem>>, vector<16x128xf32>
    tpu.vector_store %arg6[%swap3A_73, %swap3A_74], %select_n3A {strides = array<i32>} : memref<16x128xf32, #tpu.memory_space<vmem>>, vector<16x128xf32>,
    %jit3A_76 = arith.constant 0.000000e+00 : f32
    %broadcast_in_dim3A_77 = vector.broadcast %jit3A_76 : f32 to vector<16x128xf32>
    %select_n3A_78 = arith.select %gt3A_71, %min3A_13, %broadcast_in_dim3A_77 : vector<16x128xi1>, vector<16x128xf32>
    %swap3A_79 = arith.constant 0 : index
    %swap3A_80 = arith.constant 0 : index
    %swap3A_81 = vector.load %arg7[%swap3A_79, %swap3A_80] : memref<16x128xf32, #tpu.memory_space<vmem>>, vector<16x128xf32>
    tpu.vector_store %arg7[%swap3A_79, %swap3A_80], %select_n3A_78 {strides = array<i32>} : memref<16x128xf32, #tpu.memory_space<vmem>>, vector<16x128xf32>,
    %jit3A_82 = arith.constant 0.000000e+00 : f32
    %broadcast_in_dim3A_83 = vector.broadcast %jit3A_82 : f32 to vector<16x128xf32>
    %select_n3A_84 = arith.select %gt3A_71, %min3A_22, %broadcast_in_dim3A_83 : vector<16x128xi1>, vector<16x128xf32>
    %swap3A_85 = arith.constant 0 : index
    %swap3A_86 = arith.constant 0 : index
    %swap3A_87 = vector.load %arg8[%swap3A_85, %swap3A_86] : memref<16x128xf32, #tpu.memory_space<vmem>>, vector<16x128xf32>
    tpu.vector_store %arg8[%swap3A_85, %swap3A_86], %select_n3A_84 {strides = array<i32>} : memref<16x128xf32, #tpu.memory_space<vmem>>, vector<16x128xf32>,
    %jit3A_88 = arith.constant 0.000000e+00 : f32
    %broadcast_in_dim3A_89 = vector.broadcast %jit3A_88 : f32 to vector<16x128xf32>
    %select_n3A_90 = arith.select %gt3A_71, %min3A_31, %broadcast_in_dim3A_89 : vector<16x128xi1>, vector<16x128xf32>
    %swap3A_91 = arith.constant 0 : index
    %swap3A_92 = arith.constant 0 : index
    %swap3A_93 = vector.load %arg9[%swap3A_91, %swap3A_92] : memref<16x128xf32, #tpu.memory_space<vmem>>, vector<16x128xf32>
    tpu.vector_store %arg9[%swap3A_91, %swap3A_92], %select_n3A_90 {strides = array<i32>} : memref<16x128xf32, #tpu.memory_space<vmem>>, vector<16x128xf32>,
    %jit3A_94 = arith.constant 0.000000e+00 : f32
    %broadcast_in_dim3A_95 = vector.broadcast %jit3A_94 : f32 to vector<16x128xf32>
    %select_n3A_96 = arith.select %gt3A_71, %get3A_34, %broadcast_in_dim3A_95 : vector<16x128xi1>, vector<16x128xf32>
    %swap3A_97 = arith.constant 0 : index
    %swap3A_98 = arith.constant 0 : index
    %swap3A_99 = vector.load %arg10[%swap3A_97, %swap3A_98] : memref<16x128xf32, #tpu.memory_space<vmem>>, vector<16x128xf32>
    tpu.vector_store %arg10[%swap3A_97, %swap3A_98], %select_n3A_96 {strides = array<i32>} : memref<16x128xf32, #tpu.memory_space<vmem>>, vector<16x128xf32>,
    %jit3A_100 = arith.constant 0 : i32
    %broadcast_in_dim3A_101 = vector.broadcast %jit3A_100 : i32 to vector<16x128xi32>
    %select_n3A_102 = arith.select %gt3A_71, %get3A_37, %broadcast_in_dim3A_101 : vector<16x128xi1>, vector<16x128xi32>
    %swap3A_103 = arith.constant 0 : index
    %swap3A_104 = arith.constant 0 : index
    %swap3A_105 = vector.load %arg11[%swap3A_103, %swap3A_104] : memref<16x128xi32, #tpu.memory_space<vmem>>, vector<16x128xi32>
    tpu.vector_store %arg11[%swap3A_103, %swap3A_104], %select_n3A_102 {strides = array<i32>} : memref<16x128xi32, #tpu.memory_space<vmem>>, vector<16x128xi32>,
    %convert_element_type3A_106 = arith.extui %gt3A_71 : vector<16x128xi1> to vector<16x128xi32>
    %convert_element_type3A_107 = arith.sitofp %convert_element_type3A_106 : vector<16x128xi32> to vector<16x128xf32>
    %swap3A_108 = arith.constant 0 : index
    %swap3A_109 = arith.constant 0 : index
    %swap3A_110 = vector.load %arg12[%swap3A_108, %swap3A_109] : memref<16x128xf32, #tpu.memory_space<vmem>>, vector<16x128xf32>
    tpu.vector_store %arg12[%swap3A_108, %swap3A_109], %convert_element_type3A_107 {strides = array<i32>} : memref<16x128xf32, #tpu.memory_space<vmem>>, vector<16x128xf32>,
    return
  }
}

</mosaic_0001>

<sc_bundles>
// kernel: gather_offload_async_start.1
scs
__scs_entry_jumppad:
0x0: {  	(pc) =	sbr.rel $0x88, $3  }
0x1: {  	(tag) =	ssettag $0x0;
	lr =	simm.s32 $0x1  }
0x2: {  	[smem:$0x3F9F] =	sst lr;
	_ =	strace $0xD0000000  }
0x3: {  	_ = 	snop  }
0x4: {  	_ = 	snop  }
0x5: {  	_ = 	snop  }
0x6: {  	_ = 	snop  }
0x7: {  	_ = 	snop  }
__scs_overlays_trampoline_lowered:
0x8: {  	[smem:$0x3FAE] =	sst s0  }
0x9: {  	[smem:$0x3FAF] =	sst s1  }
0xa: {  	[smem:$0x3FB0] =	sst s2  }
0xb: {  	[smem:$0x3FB1] =	sst s3  }
0xc: {  	[smem:$0x3FB2] =	sst s4  }
0xd: {  	[smem:$0x3FB3] =	sst s5  }
0xe: {  	[smem:$0x3FB4] =	sst s6  }
0xf: {  	[smem:$0x3FB5] =	sst s7  }
0x10: {  	[smem:$0x3FB6] =	sst s8  }
0x11: {  	[smem:$0x3FB7] =	sst s9;
	s0 =	simm.s32 @!p0 $0x0  }
0x12: {  	s1 =	sld [smem:$0x3F9D];
	s0 =	simm.s32 @p0 $0x1  }
0x13: {  	[smem:$0x3FB8] =	sst s0;
	s0 =	simm.s32 @!p1 $0x0  }
0x14: {  	s2 =	sld [smem:$0x3F9C];
	s0 =	simm.s32 @p1 $0x1  }
0x15: {  	[smem:$0x3FB9] =	sst s0;
	s0 =	simm.s32 @!p2 $0x0  }
0x16: {  	s3 =	sld [smem:$0x3FDB];
	s0 =	simm.s32 @p2 $0x1  }
0x17: {  	s4 =	simm.s32 $0x1BF5;
	[smem:$0x3FBB] =	sst s0  }
0x18: {  	s0 =	sld [smem:$0x3F9E];
	_ =	swait.ge [sflag:s4], $0x0  }
0x19: {  	s7 =	sld [smem:$0x3F9F]  }
0x1a: {  	s8 =	sadd.s32 $0xFFFFE003, lr  }
0x1b: {  	s9 =	sadd.s32 $0xFFFFFEF7, lr;
	s5 =	simm.s32 $0xFFFFFFFF;
	p2 =	slt.u32 s8, $0xFFFFF086  }
0x1c: {  	p1 =	slt.u32 s9, $0xF7A;
	s5 =	simm.s32 @!p2 $0x0  }
0x1d: {  	s5 =	simm.s32 @p1 $0x1;
	p0 =	seq.s32 s7, s2  }
0x1e: {  	s7 =	smul.u32 @!p0 $0xF7A, s2;
	p2 =	seq.s32 @!p0 s5, $0x0  }
0x1f: {  	s9 =	smul.u32 $0xF7A, s1;
	s8 =	simm.s32 @!p0 $0x1BF5;
	p2 =	por !p2, p0  }
0x20: {  	[sflag:s8] =	ssyncset.s32 @!p0 $0xFFFFF086;
	s6 =	sadd.s32 @!p0 s3, s7;
	s7 =	simm.s32 @!p0 $0x108  }
0x21: {  	s3 =	sadd.s32 s3, s9;
	s6 =	sadd.s32 @!p0 $0x88, s6;
	s7 =	simm.s32 @p2 $0x1082  }
0x22: {  	[simem:s7], [sflag:s8] =	dma.local @!p0 [hbm:s6], $0xF7A  }
0x23: {  	s9 =	sor.u32 $0xD0000000, s2;
	s6 =	simm.s32 $0x108;
	_ =	swait.ge @!p0 [sflag:s8], $0x0  }
0x24: {  	s3 =	sadd.s32 $0x88, s3;
	s6 =	simm.s32 @!p1 $0x1082;
	[sflag:s4] =	ssyncset.s32 $0xFFFFF086  }
0x25: {  	[simem:s6], [sflag:s4] =	dma.local [hbm:s3], $0xF7A  }
0x26: {  	[smem:$0x3F9F] =	sst s1;
	(tag) =	ssettag s2;
	_ =	strace s9  }
0x27: {  	s1 =	sld [smem:$0x3FAF]  }
0x28: {  	s2 =	sld [smem:$0x3FB0]  }
0x29: {  	s4 =	sld [smem:$0x3FB2]  }
0x2a: {  	p0 =	seq.s32 s5, $0x0;
	s5 =	sld [smem:$0x3FB3]  }
0x2b: {  	s6 =	sld [smem:$0x3FB4]  }
0x2c: {  	s7 =	sld [smem:$0x3FB5]  }
0x2d: {  	s3 =	simm.s32 $0x108;
	s8 =	sld [smem:$0x3FB6]  }
0x2e: {  	s3 =	simm.s32 @!p0 $0x1082;
	s9 =	sld [smem:$0x3FB7]  }
0x2f: {  	lr =	sadd.s32 s0, s3;
	s0 =	sld [smem:$0x3FAE]  }
0x30: {  	s3 =	sld [smem:$0x3FB1]  }
0x31: {  	[smem:$0x3FBA] =	sst s10  }
0x32: {  	s10 =	sld [smem:$0x3FB8];
	_ =	sdelay $0x3  }
0x33: {  	p0 =	seq.s32 s10, $0x1;
	s10 =	sld [smem:$0x3FBA];
	_ =	sdelay $0x3  }
0x34: {  	[smem:$0x3FBA] =	sst s10  }
0x35: {  	s10 =	sld [smem:$0x3FB9];
	_ =	sdelay $0x3  }
0x36: {  	p1 =	seq.s32 s10, $0x1;
	s10 =	sld [smem:$0x3FBA];
	_ =	sdelay $0x3  }
0x37: {  	[smem:$0x3FBA] =	sst s10  }
0x38: {  	s10 =	sld [smem:$0x3FBB]  }
0x39: {  	_ = 	snop;
	(pc) =	sbr.ind lr, $3  }
0x3a: {  	_ = 	snop  }
0x3b: {  	_ = 	snop  }
0x3c: {  	p2 =	seq.s32 s10, $0x1;
	s10 =	sld [smem:$0x3FBA]  }
0x3d: {  	_ =	shalt  }
0x3e: {  	_ =	shalt  }
0x3f: {  	_ =	shalt  }
0x40: {  	_ =	shalt  }
0x41: {  	_ =	shalt  }
0x42: {  	_ =	shalt  }
0x43: {  	_ =	shalt  }
0x44: {  	_ =	shalt  }
0x45: {  	_ =	shalt  }
0x46: {  	_ =	shalt  }
0x47: {  	_ =	shalt  }
0x48: {  	_ =	shalt  }
0x49: {  	_ =	shalt  }
0x4a: {  	_ =	shalt  }
0x4b: {  	_ =	shalt  }
0x4c: {  	_ =	shalt  }
0x4d: {  	_ =	shalt  }
0x4e: {  	_ =	shalt  }
0x4f: {  	_ =	shalt  }
0x50: {  	_ =	shalt  }
0x51: {  	_ =	shalt  }
0x52: {  	_ =	shalt  }
0x53: {  	_ =	shalt  }
0x54: {  	_ =	shalt  }
0x55: {  	_ =	shalt  }
0x56: {  	_ =	shalt  }
0x57: {  	_ =	shalt  }
0x58: {  	_ =	shalt  }
0x59: {  	_ =	shalt  }
0x5a: {  	_ =	shalt  }
0x5b: {  	_ =	shalt  }
0x5c: {  	_ =	shalt  }
0x5d: {  	_ =	shalt  }
0x5e: {  	_ =	shalt  }
0x5f: {  	_ =	shalt  }
0x60: {  	_ =	shalt  }
0x61: {  	_ =	shalt  }
0x62: {  	_ =	shalt  }
0x63: {  	_ =	shalt  }
0x64: {  	_ =	shalt  }
0x65: {  	_ =	shalt  }
0x66: {  	_ =	shalt  }
0x67: {  	_ =	shalt  }
0x68: {  	_ =	shalt  }
0x69: {  	_ =	shalt  }
0x6a: {  	_ =	shalt  }
0x6b: {  	_ =	shalt  }
0x6c: {  	_ =	shalt  }
0x6d: {  	_ =	shalt  }
0x6e: {  	_ =	shalt  }
0x6f: {  	_ =	shalt  }
0x70: {  	_ =	shalt  }
0x71: {  	_ =	shalt  }
0x72: {  	_ =	shalt  }
0x73: {  	_ =	shalt  }
0x74: {  	_ =	shalt  }
0x75: {  	_ =	shalt  }
0x76: {  	_ =	shalt  }
0x77: {  	_ =	shalt  }
0x78: {  	_ =	shalt  }
0x79: {  	_ =	shalt  }
0x7a: {  	_ =	shalt  }
0x7b: {  	_ =	shalt  }
0x7c: {  	_ =	shalt  }
0x7d: {  	_ =	shalt  }
0x7e: {  	_ =	shalt  }
0x7f: {  	_ =	shalt  }
0x80: {  	_ =	shalt  }
0x81: {  	_ =	shalt  }
0x82: {  	_ =	shalt  }
0x83: {  	_ =	shalt  }
0x84: {  	_ =	shalt  }
0x85: {  	_ =	shalt  }
0x86: {  	_ =	shalt  }
0x87: {  	_ =	shalt  }
.Lfunc_end0:
.L_simem_size_0:
called_computation.1_lowered:
.L_overlay_start_0:
0x88: {  	s0 =	sld [smem:$0x3FD9]  }
0x89: {  	s1 =	sld [smem:$0x3FFE];
	_ =	sdelay $0x3  }
0x8a: {  	s0 =	sadd.s32 s1, s0  }
0x8b: {  	[smem:$0x3FC6] =	sst s0  }
0x8c: {  	_ = 	snop  }
0x8d: {  	s0 =	sld [smem:$0x3FD0];
	_ =	sdelay $0x2  }
0x8e: {  	s13 =	simm.s32 $0xA;
	s2 =	simm.s32 $0x10  }
0x8f: {  	[smem:s2], [sflag:s13] =	dma.local [hbm:s0], $0x1  }
0x90: {  	_ =	swait.eq [sflag:s13], $0x1  }
0x91: {  	[sflag:s13] =	ssyncset.done $0x0  }
0x92: {  	[sflag:s13] =	ssyncadd.s32 $0xFFFFFFFF  }
0x93: {  	s14 =	sld [smem:$0x10];
	(tm) =	ssettm $0x1  }
0x94: {  	s15 =	sld [smem:$0x3FFB];
	_ =	sdelay $0x3  }
0x95: {  	_ =	strace s15  }
0x96: {  	s1 =	sld [smem:$0x3FFC];
	_ =	sdelay $0x3  }
0x97: {  	_ =	strace s1  }
0x98: {  	s1 =	sld [smem:$0x3FFD];
	_ =	sdelay $0x3  }
0x99: {  	_ =	strace s1  }
0x9a: {  	_ =	strace $0x8FFFFFFF  }
0x9b: {  	s16 =	sld [smem:$0x3FDB];
	_ =	sdelay $0x1  }
0x9c: {  	s17 =	simm.s32 $_scs_section_size  }
0x9d: {  	s3 =	simm.s32 $_size__tile_overlayer_lowered;
	s4 =	simm.s32 $_tile_overlayer_lowered  }
0x9e: {  	s20 =	simm.s32 $0x1BFF;
	s19 =	sshll.u32 s4, $0x1;
	s1 =	sadd.s32 s17, s16  }
0x9f: {  	s5 =	simm.s32 $0x0;
	s18 =	sshll.u32 s3, $0x1;
	s3 =	sadd.s32 s19, s1  }
0xa0: {  	[timem:s5], [sflag:s20] =	dma.local [hbm:s3], s18  }
0xa1: {  	_ =	swait.ge [sflag:s20], s18  }
0xa2: {  	s2 =	ssub.s32 $0x0, s18;
	[sflag:s20] =	ssyncset.done $0x0  }
0xa3: {  	[sflag:s20] =	ssyncadd.s32 s2;
	_ =	sdelay $0x1  }
0xa4: {  	s21 =	simm.s32 $0x1B8B  }
0xa5: {  	_ =	swait.ge [sflag:s21], $0x1  }
0xa6: {  	[sflag:s21] =	ssyncset.done $0x0  }
0xa7: {  	s23 =	simm.s32 $0x1B8E;
	s22 =	sld [smem:$0x3FFE];
	[sflag:s21] =	ssyncadd.s32 $0xFFFFFFFF  }
0xa8: {  	s24 =	simm.s32 $execute0_lowered;
	[smem:$0x3FD2] =	sst s23  }
0xa9: {  	s3 =	sshll.u32 s24, $0x1;
	_ =	strace $0x80000046;
	[dreg:$0x1] =	wrdreg $0xFFFFFFFF  }
0xaa: {  	s25 =	simm.s32 $_size_execute0_lowered;
	s1 =	sadd.s32 s1, s3;
	[dreg:$0x0] =	wrdreg $0x0  }
0xab: {  	s3 =	sshll.u32 s25, $0x1;
	[dreg:$0x2] =	wrdreg s1  }
0xac: {  	[dreg:$0x3] =	wrdreg s3  }
0xad: {  	[dreg:$0x4] =	wrdreg $0xC0  }
0xae: {  	_ =	task [dreg:s5], $0x5FFFF  }
0xaf: {  	[dreg:$0x1] =	wrdreg $0xFFFFFFFF  }
0xb0: {  	[dreg:$0x0] =	wrdreg $0x60  }
0xb1: {  	[dreg:$0x2] =	wrdreg s22  }
0xb2: {  	[dreg:$0x3] =	wrdreg s14  }
0xb3: {  	[dreg:$0x4] =	wrdreg $0x9  }
0xb4: {  	_ =	task.clear_ibuf [dreg:s5], $0x5FFFF;
	_ =	strace $0x90000046  }
0xb5: {  	s26 =	simm.s32 $0x9;
	_ =	strace $0x80000048  }
0xb6: {  	_ =	swait.ge [sflag:s26], $0x1  }
0xb7: {  	[sflag:s26] =	ssyncadd.s32 $0xFFFFFFFF  }
0xb8: {  	_ =	strace $0x90000048  }
0xb9: {  	_ =	sfence  }
0xba: {  	s28 =	sld [smem:$0x0];
	_ =	sdelay $0x1  }
0xbb: {  	s29 =	srdreg.scid  }
0xbc: {  	s30 =	sshll.u32 s29, $0xD;
	s31 =	sshrl.u32 s29, $0x2  }
0xbd: {  	s2 =	sand.u32 $0x4000, s30;
	s1 =	sand.u32 $0x1, s29;
	s0 =	sadd.s32 s31, s28  }
0xbe: {  	s1 =	sor.u32 s2, s1;
	s0 =	sshll.u32 s0, $0x11  }
0xbf: {  	s0 =	sor.u32 s0, s1  }
0xc0: {  	s0 =	sadd.s32 $0x8F2B, s0  }
0xc1: {  	[sflag:s0] =	ssyncadd.remote.s32 $0x1  }
0xc2: {  	_ =	sfence.sel $0xFFFF  }
0xc3: {  	[dreg:$0x0] =	wrdreg $0xFFFFFFFF;
	(pc) =	sbr.abs _section_cstart, $3  }
0xc4: {  	[dreg:$0x1] =	wrdreg $0xFFFFFFFF  }
0xc5: {  	_ =	task.clear_ibuf [dreg:s5], $0x2FFFF;
	_ =	strace $0x9FFFFFFF  }
0xc6: {  	(tm) =	ssettm $0x7FFFFFFF  }
0xc7: {  	_ =	shalt  }
tec
execute0_lowered:
.L_overlay_start_1:
0x0: {  	(tag) =	ssettag $0x1  }
0x1: {  	s8 =	rddreg [dreg:$0x0]  }
0x2: {  	s2 =	rddreg [dreg:$0x1]  }
0x3: {  	s0 =	rddreg [dreg:$0x2]  }
0x4: {  	s1 =	stileid.u32;
	_ =	strace $0x80000047;
	s5 =	simm.s32 $0x1  }
0x5: {  	s6 =	simm.s32 $0x500;
	s9 =	simm.s32 $0x1;
	s10 =	simm.s32 $0x3  }
0x6: {  	s13 =	simm.s32 $0x0;
	s12 =	simm.s32 $0x0;
	s4 =	smul.u32 $0x50, s1  }
0x7: {  	s3 =	sadd.s32 $0x4E200, s8;
	p0 =	slt.u32 s1, $0xA;
	[sflag:s5] =	ssyncpa.u1 $0x0  }
.Ltmp0:
0x8: {  	s6 =	simm.s32 @!p0 $0x0;
	s7 =	ssub.s32 $0x7D0, s4;
	(pc) =	sbr.rel .LBB2_1-.Ltmp0, $4  }
0x9: {  	s9 =	simm.s32 @!p0 $0x0;
	p0 =	sne.s32 s7, s6;
	s7 =	simm.s32 $0x1  }
0xa: {  	s8 =	sadd.s32 $0x59C00, s8;
	s6 =	simm.s32 $0x2;
	s7 =	simm.s32 @!p0 $0x0  }
0xb: {  	s11 =	smov.u32 s4;
	[sflag:s6] =	ssyncpa.u1 $0x0;
	s7 =	sadd.s32 s9, s7  }
0xc: {  	vm0 =	vmmov $0xffff;
	[sflag:s10] =	ssyncpa.u1 $0x0;
	s10 =	simm.s32 $0x0;
	s9 =	sadd.s32 $0x1, s7  }
.LBB2_4:
0xd: {  	v2 =	vnsel vm1, $0x0, v2  }
0xe: {  	vm1 =	vgt.s32 v0, $0x0;
	v2 =	vmin.u32 v2, $0x5CC5F  }
0xf: {  	v0 =	vnsel vm1, $0x0, v0  }
0x10: {  	v0 =	vmin.u32 v0, $0x5CC5F  }
0x11: {  	[tilespmem:s18], [sflag:$0x1] =	stream.indirect_vreg.gather [hbm4b:s3+s10], $0x1, v1, vm0, $0x4038;
	[tilespmem:$0x140] =	vst v63  }
0x12: {  	(ifvalue) =	ssetifvalue $0x7FFFFFFF  }
0x13: {  	[tilespmem:s15], [sflag:$0x1] =	stream.indirect_vreg.gather [hbm4b:s3+s10], $0x1, v2, vm0, $0x4038;
	[tilespmem:$0x140] =	vst v63  }
0x14: {  	s29 =	sadd.s32 $0x10, s15;
	(ifvalue) =	ssetifvalue $0x7FFFFFFF  }
0x15: {  	[tilespmem:s29], [sflag:$0x1] =	stream.indirect_vreg.gather [hbm4b:s3+s10], $0x1, v0, vm0, $0x4038;
	[tilespmem:$0x140] =	vst v63  }
0x16: {  	_ =	swait.ge [sflag:s5], $0x50  }
0x17: {  	s30 =	sshrl.u32 s13, $0x3;
	[sflag:s5] =	ssyncset.done $0x0  }
0x18: {  	s31 =	sand.u32 $0x7, s13;
	s15 =	sadd.s32 s8, s30;
	[sflag:s5] =	ssyncadd.s32 $0xFFFFFFB0  }
0x19: {  	[hbm4b:s15+s31] =	stream.linear.scatter [tilespmem:s14], [sflag:$0x3], $0x50, $0x38;
	[tilespmem:$0x140] =	vst v63  }
.LBB2_5:
0x1a: {  	s15 =	sadd.s32 $0x500, s11  }
0x1b: {  	p1 =	sgt.s32 s15, $0x7CF  }
0x1c: {  	s15 =	smov.u32 @p1 s4;
	p1 =	sne.s32 s12, s9  }
.Ltmp1:
0x1d: {  	p0 =	slt.u32 s12, $0x2;
	(pc) =	sbr.rel @!p1 .LBB2_6-.Ltmp1, $4  }
0x1e: {  	s14 =	simm.s32 @!p0 $0x3  }
0x1f: {  	_ =	swait.ge @!p0 [sflag:s14], $0x50  }
0x20: {  	s16 =	sadd.s32 $0x1, s12;
	s13 =	smov.u32 s11;
	[sflag:s14] =	ssyncset.done @!p0 $0x0  }
0x21: {  	s12 =	smov.u32 s16;
	s11 =	smov.u32 s15;
	[sflag:s14] =	ssyncadd.s32 @!p0 $0xFFFFFFB0  }
.LBB2_1:
0x22: {  	p0 =	sge.u32 s12, s7  }
0x23: {  	s14 =	sxor.u32 @!p0 $0x1, s12  }
0x24: {  	s14 =	smul.u32 @!p0 $0x140, s14  }
0x25: {  	s31 =	sadd.s32 $0xFFFFFFFF, s12;
	s15 =	sshrl.u32 @!p0 s11, $0x3  }
0x26: {  	s16 =	sand.u32 @!p0 $0x7, s11;
	s15 =	sadd.s32 @!p0 s2, s15;
	s14 =	sshra.s32 @!p0 s14, $0x2  }
0x27: {  	[tilespmem:s14], [sflag:$0x2] =	stream.linear.gather @!p0 [hbm4b:s15+s16], $0x50, $0x38;
	[tilespmem:$0x140] =	vst v63  }
0x28: {  	p0 =	sge.u32 s31, s7  }
.Ltmp2:
0x29: {  	_ = 	snop;
	(pc) =	sbr.rel @p0 .LBB2_5-.Ltmp2, $1  }
0x2a: {  	_ =	sdelay $0x3  }
0x2b: {  	s14 =	sand.u32 $0x1, s12  }
0x2c: {  	_ =	swait.ge [sflag:s6], $0x50;
	p0 =	seq.s32 s14, $0x1;
	s14 =	simm.s32 $0x50  }
0x2d: {  	[sflag:s6] =	ssyncset.done $0x0;
	s14 =	simm.s32 @!p0 $0x0  }
0x2e: {  	[sflag:s6] =	ssyncadd.s32 $0xFFFFFFB0;
	(ifvalue) =	ssetifvalue $0x7FFFFFFF;
	v0 =	vld.msk [tilespmem:s14+$0x0 ss:$0x1], $0xffff;
	_ =	sdelay $0x4  }
0x2f: {  	s15 =	sadd.s32 $0x10, s14;
	vm1 =	vgt.s32 v0, $0x0  }
0x30: {  	v2 =	vld.msk [tilespmem:s15+$0x0 ss:$0x1], $0xffff;
	v1 =	vnsel vm1, $0x0, v0  }
0x31: {  	v1 =	vmin.u32 v1, $0x5CC5F;
	_ =	sdelay $0x2  }
0x32: {  	s17 =	simm.s32 $0x20;
	s14 =	sor.u32 $0xA0, s14;
	s16 =	sadd.s32 $0x10, s15  }
0x33: {  	s15 =	sadd.s32 $0x10, s14;
	s18 =	smov.u32 s14;
	v0 =	vld.msk [tilespmem:s16+$0x0 ss:$0x1], $0xffff;
	vm1 =	vgt.s32 v2, $0x0;
	(ifvalue) =	ssetifvalue $0x7FFFFFFF  }
.LBB2_3:
0x34: {  	[tilespmem:s18], [sflag:$0x1] =	stream.indirect_vreg.gather [hbm4b:s3+s10], $0x1, v1, vm0, $0x4038;
	[tilespmem:$0x140] =	vst v63  }
0x35: {  	s17 =	sadd.s32 $0x10, s17  }
0x36: {  	v2 =	vnsel vm1, $0x0, v2;
	p0 =	slt.u32 s17, $0x40  }
.Ltmp3:
0x37: {  	s18 =	smov.u32 s15;
	v1 =	vmin.u32 v2, $0x5CC5F;
	(pc) =	sbr.rel @p0 .LBB2_3-.Ltmp3, $3  }
0x38: {  	_ =	sdelay $0x1  }
0x39: {  	s16 =	sadd.s32 $0x10, s16  }
0x3a: {  	vm1 =	vgt.s32 v0, $0x0;
	s15 =	sadd.s32 $0x10, s15;
	v2 =	vmov v0;
	(ifvalue) =	ssetifvalue $0x7FFFFFFF;
	v0 =	vld.msk [tilespmem:s16+$0x0 ss:$0x1], $0xffff  }
.Ltmp4:
0x3b: {  	_ = 	snop;
	(pc) =	sbr.rel .LBB2_4-.Ltmp4, $1  }
0x3c: {  	_ =	sdelay $0x3  }
.LBB2_6:
0x3d: {  	_ =	sfence.sel $0x180000  }
0x3e: {  	s2 =	simm.s32 $0x2;
	[bflag:$0x0] =	sbarrier.arrive $0xFFFF  }
0x3f: {  	s30 =	simm.s32 $0x3;
	[sflag:s2] =	ssyncpa.u1 $0x1  }
0x40: {  	s31 =	simm.s32 $0x1;
	[sflag:s30] =	ssyncpa.u1 $0x1  }
0x41: {  	[sflag:s31] =	ssyncpa.u1 $0x1  }
0x42: {  	p0 =	sne.s32 s1, $0x0;
	_ =	strace $0x90000047  }
0x43: {  	s0 =	sadd.s32 @!p0 $0x100000, s0;
	[bflag:$0x2] =	sbarrier.arrive $0xFFFF  }
0x44: {  	[sflag:s0] =	ssyncadd.tile.s32 @!p0 $0x1;
	_ =	shalt  }
.Lfunc_end2:
_tile_overlayer_lowered:
.L_overlay_start_2:
0x45: {  	(tag) =	ssettag $0x2  }
0x46: {  	s0 =	rddreg [dreg:$0x0];
	s2 =	stileid.u32  }
0x47: {  	s1 =	rddreg [dreg:$0x1];
	p0 =	sne.s32 s2, $0x0  }
0x48: {  	s3 =	rddreg [dreg:$0x2];
	[bflag:$0x3] =	sbarrier.arrive $0xFFFF;
	s2 =	simm.s32 @!p0 $0x1C01  }
0x49: {  	[timem:s3], [sflag:s2] =	dma.local @!p0 [hbm:s0], s1  }
0x4a: {  	s0 =	simm.s32 @!p0 $0x1  }
0x4b: {  	_ =	swait.ge @!p0 [sflag:s0], s1  }
0x4c: {  	s1 =	ssub.s32 @!p0 $0x0, s1;
	[sflag:s0] =	ssyncset.done @!p0 $0x0  }
0x4d: {  	[sflag:s0] =	ssyncadd.s32 @!p0 s1  }
0x4e: {  	[bflag:$0x3] =	sbarrier.arrive $0xFFFF  }
0x4f: {  	_ =	shalt  }

// kernel: gather_offload_async_start
scs
__scs_entry_jumppad:
0x0: {  	(pc) =	sbr.rel $0x88, $3  }
0x1: {  	(tag) =	ssettag $0x0;
	lr =	simm.s32 $0x1  }
0x2: {  	[smem:$0x3F9F] =	sst lr;
	_ =	strace $0xD0000000  }
0x3: {  	_ = 	snop  }
0x4: {  	_ = 	snop  }
0x5: {  	_ = 	snop  }
0x6: {  	_ = 	snop  }
0x7: {  	_ = 	snop  }
__scs_overlays_trampoline_lowered:
0x8: {  	[smem:$0x3FAE] =	sst s0  }
0x9: {  	[smem:$0x3FAF] =	sst s1  }
0xa: {  	[smem:$0x3FB0] =	sst s2  }
0xb: {  	[smem:$0x3FB1] =	sst s3  }
0xc: {  	[smem:$0x3FB2] =	sst s4  }
0xd: {  	[smem:$0x3FB3] =	sst s5  }
0xe: {  	[smem:$0x3FB4] =	sst s6  }
0xf: {  	[smem:$0x3FB5] =	sst s7  }
0x10: {  	[smem:$0x3FB6] =	sst s8  }
0x11: {  	[smem:$0x3FB7] =	sst s9;
	s0 =	simm.s32 @!p0 $0x0  }
0x12: {  	s1 =	sld [smem:$0x3F9D];
	s0 =	simm.s32 @p0 $0x1  }
0x13: {  	[smem:$0x3FB8] =	sst s0;
	s0 =	simm.s32 @!p1 $0x0  }
0x14: {  	s2 =	sld [smem:$0x3F9C];
	s0 =	simm.s32 @p1 $0x1  }
0x15: {  	[smem:$0x3FB9] =	sst s0;
	s0 =	simm.s32 @!p2 $0x0  }
0x16: {  	s3 =	sld [smem:$0x3FDB];
	s0 =	simm.s32 @p2 $0x1  }
0x17: {  	s4 =	simm.s32 $0x1BF5;
	[smem:$0x3FBB] =	sst s0  }
0x18: {  	s0 =	sld [smem:$0x3F9E];
	_ =	swait.ge [sflag:s4], $0x0  }
0x19: {  	s7 =	sld [smem:$0x3F9F]  }
0x1a: {  	s8 =	sadd.s32 $0xFFFFE003, lr  }
0x1b: {  	s9 =	sadd.s32 $0xFFFFFEF7, lr;
	s5 =	simm.s32 $0xFFFFFFFF;
	p2 =	slt.u32 s8, $0xFFFFF086  }
0x1c: {  	p1 =	slt.u32 s9, $0xF7A;
	s5 =	simm.s32 @!p2 $0x0  }
0x1d: {  	s5 =	simm.s32 @p1 $0x1;
	p0 =	seq.s32 s7, s2  }
0x1e: {  	s7 =	smul.u32 @!p0 $0xF7A, s2;
	p2 =	seq.s32 @!p0 s5, $0x0  }
0x1f: {  	s9 =	smul.u32 $0xF7A, s1;
	s8 =	simm.s32 @!p0 $0x1BF5;
	p2 =	por !p2, p0  }
0x20: {  	[sflag:s8] =	ssyncset.s32 @!p0 $0xFFFFF086;
	s6 =	sadd.s32 @!p0 s3, s7;
	s7 =	simm.s32 @!p0 $0x108  }
0x21: {  	s3 =	sadd.s32 s3, s9;
	s6 =	sadd.s32 @!p0 $0x88, s6;
	s7 =	simm.s32 @p2 $0x1082  }
0x22: {  	[simem:s7], [sflag:s8] =	dma.local @!p0 [hbm:s6], $0xF7A  }
0x23: {  	s9 =	sor.u32 $0xD0000000, s2;
	s6 =	simm.s32 $0x108;
	_ =	swait.ge @!p0 [sflag:s8], $0x0  }
0x24: {  	s3 =	sadd.s32 $0x88, s3;
	s6 =	simm.s32 @!p1 $0x1082;
	[sflag:s4] =	ssyncset.s32 $0xFFFFF086  }
0x25: {  	[simem:s6], [sflag:s4] =	dma.local [hbm:s3], $0xF7A  }
0x26: {  	[smem:$0x3F9F] =	sst s1;
	(tag) =	ssettag s2;
	_ =	strace s9  }
0x27: {  	s1 =	sld [smem:$0x3FAF]  }
0x28: {  	s2 =	sld [smem:$0x3FB0]  }
0x29: {  	s4 =	sld [smem:$0x3FB2]  }
0x2a: {  	p0 =	seq.s32 s5, $0x0;
	s5 =	sld [smem:$0x3FB3]  }
0x2b: {  	s6 =	sld [smem:$0x3FB4]  }
0x2c: {  	s7 =	sld [smem:$0x3FB5]  }
0x2d: {  	s3 =	simm.s32 $0x108;
	s8 =	sld [smem:$0x3FB6]  }
0x2e: {  	s3 =	simm.s32 @!p0 $0x1082;
	s9 =	sld [smem:$0x3FB7]  }
0x2f: {  	lr =	sadd.s32 s0, s3;
	s0 =	sld [smem:$0x3FAE]  }
0x30: {  	s3 =	sld [smem:$0x3FB1]  }
0x31: {  	[smem:$0x3FBA] =	sst s10  }
0x32: {  	s10 =	sld [smem:$0x3FB8];
	_ =	sdelay $0x3  }
0x33: {  	p0 =	seq.s32 s10, $0x1;
	s10 =	sld [smem:$0x3FBA];
	_ =	sdelay $0x3  }
0x34: {  	[smem:$0x3FBA] =	sst s10  }
0x35: {  	s10 =	sld [smem:$0x3FB9];
	_ =	sdelay $0x3  }
0x36: {  	p1 =	seq.s32 s10, $0x1;
	s10 =	sld [smem:$0x3FBA];
	_ =	sdelay $0x3  }
0x37: {  	[smem:$0x3FBA] =	sst s10  }
0x38: {  	s10 =	sld [smem:$0x3FBB]  }
0x39: {  	_ = 	snop;
	(pc) =	sbr.ind lr, $3  }
0x3a: {  	_ = 	snop  }
0x3b: {  	_ = 	snop  }
0x3c: {  	p2 =	seq.s32 s10, $0x1;
	s10 =	sld [smem:$0x3FBA]  }
0x3d: {  	_ =	shalt  }
0x3e: {  	_ =	shalt  }
0x3f: {  	_ =	shalt  }
0x40: {  	_ =	shalt  }
0x41: {  	_ =	shalt  }
0x42: {  	_ =	shalt  }
0x43: {  	_ =	shalt  }
0x44: {  	_ =	shalt  }
0x45: {  	_ =	shalt  }
0x46: {  	_ =	shalt  }
0x47: {  	_ =	shalt  }
0x48: {  	_ =	shalt  }
0x49: {  	_ =	shalt  }
0x4a: {  	_ =	shalt  }
0x4b: {  	_ =	shalt  }
0x4c: {  	_ =	shalt  }
0x4d: {  	_ =	shalt  }
0x4e: {  	_ =	shalt  }
0x4f: {  	_ =	shalt  }
0x50: {  	_ =	shalt  }
0x51: {  	_ =	shalt  }
0x52: {  	_ =	shalt  }
0x53: {  	_ =	shalt  }
0x54: {  	_ =	shalt  }
0x55: {  	_ =	shalt  }
0x56: {  	_ =	shalt  }
0x57: {  	_ =	shalt  }
0x58: {  	_ =	shalt  }
0x59: {  	_ =	shalt  }
0x5a: {  	_ =	shalt  }
0x5b: {  	_ =	shalt  }
0x5c: {  	_ =	shalt  }
0x5d: {  	_ =	shalt  }
0x5e: {  	_ =	shalt  }
0x5f: {  	_ =	shalt  }
0x60: {  	_ =	shalt  }
0x61: {  	_ =	shalt  }
0x62: {  	_ =	shalt  }
0x63: {  	_ =	shalt  }
0x64: {  	_ =	shalt  }
0x65: {  	_ =	shalt  }
0x66: {  	_ =	shalt  }
0x67: {  	_ =	shalt  }
0x68: {  	_ =	shalt  }
0x69: {  	_ =	shalt  }
0x6a: {  	_ =	shalt  }
0x6b: {  	_ =	shalt  }
0x6c: {  	_ =	shalt  }
0x6d: {  	_ =	shalt  }
0x6e: {  	_ =	shalt  }
0x6f: {  	_ =	shalt  }
0x70: {  	_ =	shalt  }
0x71: {  	_ =	shalt  }
0x72: {  	_ =	shalt  }
0x73: {  	_ =	shalt  }
0x74: {  	_ =	shalt  }
0x75: {  	_ =	shalt  }
0x76: {  	_ =	shalt  }
0x77: {  	_ =	shalt  }
0x78: {  	_ =	shalt  }
0x79: {  	_ =	shalt  }
0x7a: {  	_ =	shalt  }
0x7b: {  	_ =	shalt  }
0x7c: {  	_ =	shalt  }
0x7d: {  	_ =	shalt  }
0x7e: {  	_ =	shalt  }
0x7f: {  	_ =	shalt  }
0x80: {  	_ =	shalt  }
0x81: {  	_ =	shalt  }
0x82: {  	_ =	shalt  }
0x83: {  	_ =	shalt  }
0x84: {  	_ =	shalt  }
0x85: {  	_ =	shalt  }
0x86: {  	_ =	shalt  }
0x87: {  	_ =	shalt  }
.Lfunc_end0:
.L_simem_size_0:
called_computation_lowered:
.L_overlay_start_0:
0x88: {  	s0 =	sld [smem:$0x3FD9]  }
0x89: {  	s1 =	sld [smem:$0x3FFE];
	_ =	sdelay $0x3  }
0x8a: {  	s0 =	sadd.s32 s1, s0  }
0x8b: {  	[smem:$0x3FC6] =	sst s0  }
0x8c: {  	_ = 	snop  }
0x8d: {  	s0 =	sld [smem:$0x3FD0];
	_ =	sdelay $0x2  }
0x8e: {  	s13 =	simm.s32 $0xA;
	s2 =	simm.s32 $0x10  }
0x8f: {  	[smem:s2], [sflag:s13] =	dma.local [hbm:s0], $0x1  }
0x90: {  	_ =	swait.eq [sflag:s13], $0x1  }
0x91: {  	[sflag:s13] =	ssyncset.done $0x0  }
0x92: {  	[sflag:s13] =	ssyncadd.s32 $0xFFFFFFFF  }
0x93: {  	s14 =	sld [smem:$0x11];
	(tm) =	ssettm $0x1  }
0x94: {  	s15 =	sld [smem:$0x3FFB];
	_ =	sdelay $0x3  }
0x95: {  	_ =	strace s15  }
0x96: {  	s1 =	sld [smem:$0x3FFC];
	_ =	sdelay $0x3  }
0x97: {  	_ =	strace s1  }
0x98: {  	s1 =	sld [smem:$0x3FFD];
	_ =	sdelay $0x3  }
0x99: {  	_ =	strace s1  }
0x9a: {  	_ =	strace $0x8FFFFFFF  }
0x9b: {  	s16 =	sld [smem:$0x3FDB];
	_ =	sdelay $0x1  }
0x9c: {  	s17 =	simm.s32 $_scs_section_size  }
0x9d: {  	s3 =	simm.s32 $_size__tile_overlayer_lowered;
	s4 =	simm.s32 $_tile_overlayer_lowered  }
0x9e: {  	s20 =	simm.s32 $0x1BFF;
	s19 =	sshll.u32 s4, $0x1;
	s1 =	sadd.s32 s17, s16  }
0x9f: {  	s5 =	simm.s32 $0x0;
	s18 =	sshll.u32 s3, $0x1;
	s3 =	sadd.s32 s19, s1  }
0xa0: {  	[timem:s5], [sflag:s20] =	dma.local [hbm:s3], s18  }
0xa1: {  	_ =	swait.ge [sflag:s20], s18  }
0xa2: {  	s2 =	ssub.s32 $0x0, s18;
	[sflag:s20] =	ssyncset.done $0x0  }
0xa3: {  	[sflag:s20] =	ssyncadd.s32 s2;
	_ =	sdelay $0x1  }
0xa4: {  	s21 =	simm.s32 $0x1B8B  }
0xa5: {  	_ =	swait.ge [sflag:s21], $0x1  }
0xa6: {  	[sflag:s21] =	ssyncset.done $0x0  }
0xa7: {  	s23 =	simm.s32 $0x1B8E;
	s22 =	sld [smem:$0x3FFE];
	[sflag:s21] =	ssyncadd.s32 $0xFFFFFFFF  }
0xa8: {  	s24 =	simm.s32 $execute0_lowered;
	[smem:$0x3FD2] =	sst s23  }
0xa9: {  	s3 =	sshll.u32 s24, $0x1;
	_ =	strace $0x80000049;
	[dreg:$0x1] =	wrdreg $0xFFFFFFFF  }
0xaa: {  	s25 =	simm.s32 $_size_execute0_lowered;
	s1 =	sadd.s32 s1, s3;
	[dreg:$0x0] =	wrdreg $0x0  }
0xab: {  	s3 =	sshll.u32 s25, $0x1;
	[dreg:$0x2] =	wrdreg s1  }
0xac: {  	[dreg:$0x3] =	wrdreg s3  }
0xad: {  	[dreg:$0x4] =	wrdreg $0xC0  }
0xae: {  	_ =	task [dreg:s5], $0x5FFFF  }
0xaf: {  	[dreg:$0x1] =	wrdreg $0xFFFFFFFF  }
0xb0: {  	[dreg:$0x0] =	wrdreg $0x60  }
0xb1: {  	[dreg:$0x2] =	wrdreg s22  }
0xb2: {  	[dreg:$0x3] =	wrdreg s14  }
0xb3: {  	[dreg:$0x4] =	wrdreg $0x9  }
0xb4: {  	_ =	task.clear_ibuf [dreg:s5], $0x5FFFF;
	_ =	strace $0x90000049  }
0xb5: {  	s26 =	simm.s32 $0x9;
	_ =	strace $0x8000004B  }
0xb6: {  	_ =	swait.ge [sflag:s26], $0x1  }
0xb7: {  	[sflag:s26] =	ssyncadd.s32 $0xFFFFFFFF  }
0xb8: {  	_ =	strace $0x9000004B  }
0xb9: {  	_ =	sfence  }
0xba: {  	s28 =	sld [smem:$0x0];
	_ =	sdelay $0x1  }
0xbb: {  	s29 =	srdreg.scid  }
0xbc: {  	s30 =	sshll.u32 s29, $0xD;
	s31 =	sshrl.u32 s29, $0x2  }
0xbd: {  	s2 =	sand.u32 $0x4000, s30;
	s1 =	sand.u32 $0x1, s29;
	s0 =	sadd.s32 s31, s28  }
0xbe: {  	s1 =	sor.u32 s2, s1;
	s0 =	sshll.u32 s0, $0x11  }
0xbf: {  	s0 =	sor.u32 s0, s1  }
0xc0: {  	s0 =	sadd.s32 $0x8F2B, s0  }
0xc1: {  	[sflag:s0] =	ssyncadd.remote.s32 $0x1  }
0xc2: {  	_ =	sfence.sel $0xFFFF  }
0xc3: {  	[dreg:$0x0] =	wrdreg $0xFFFFFFFF;
	(pc) =	sbr.abs _section_cstart, $3  }
0xc4: {  	[dreg:$0x1] =	wrdreg $0xFFFFFFFF  }
0xc5: {  	_ =	task.clear_ibuf [dreg:s5], $0x2FFFF;
	_ =	strace $0x9FFFFFFF  }
0xc6: {  	(tm) =	ssettm $0x7FFFFFFF  }
0xc7: {  	_ =	shalt  }
tec
execute0_lowered:
.L_overlay_start_1:
0x0: {  	(tag) =	ssettag $0x1  }
0x1: {  	s0 =	stileid.u32  }
0x2: {  	s1 =	smin.u32 s0, $0x9  }
0x3: {  	s1 =	sadd.s32 s0, s1  }
0x4: {  	s2 =	simm.s32 $0xA0;
	p0 =	slt.u32 s0, $0x9;
	s1 =	smul.u32 $0x50, s1  }
0x5: {  	s2 =	simm.s32 @!p0 $0x50  }
0x6: {  	s2 =	sadd.s32 s2, s1  }
0x7: {  	s3 =	smin.u32 s2, $0x7D0  }
0x8: {  	s7 =	ssub.s32 s3, s1  }
0x9: {  	p0 =	sgt.s32 s7, $0x0  }
0xa: {  	s7 =	simm.s32 @!p0 $0x0  }
0xb: {  	s4 =	rddreg [dreg:$0x0];
	s31 =	smul.u32 $0xCCCD, s7  }
0xc: {  	s5 =	rddreg [dreg:$0x1]  }
0xd: {  	s6 =	simm.s32 $0x1;
	s10 =	simm.s32 $0x3;
	s8 =	sshrl.u32 s31, $0x16  }
0xe: {  	s13 =	simm.s32 $0x0;
	s12 =	simm.s32 $0x0;
	s9 =	smul.u32 $0x50, s8  }
.Ltmp0:
0xf: {  	s11 =	smov.u32 s1;
	s2 =	rddreg [dreg:$0x2];
	(pc) =	sbr.rel .LBB2_1-.Ltmp0, $4  }
0x10: {  	_ =	strace $0x8000004A;
	p0 =	sne.s32 s7, s9;
	s9 =	simm.s32 $0x1  }
0x11: {  	[sflag:s6] =	ssyncpa.u1 $0x0;
	s7 =	simm.s32 $0x2;
	s9 =	simm.s32 @!p0 $0x0  }
0x12: {  	[sflag:s7] =	ssyncpa.u1 $0x0;
	p0 =	por $0x0, $0x0;
	s8 =	sadd.s32 s8, s9  }
0x13: {  	vm0 =	vmmov $0xff;
	vm1 =	vcmask $0x3F20;
	s9 =	sadd.s32 $0x4E200, s4;
	[sflag:s10] =	ssyncpa.u1 $0x0;
	s10 =	sadd.s32 $0x1, s8  }
.LBB2_6:
0x14: {  	[hbm:s17] =	stream.linear.scatter [tilespmem:s14], [sflag:$0x3], $0x400, $0x38;
	[tilespmem:$0x50A0] =	vst v63  }
.LBB2_7:
0x15: {  	s13 =	sadd.s32 $0x50, s11  }
0x16: {  	s15 =	smov.u32 s1;
	p2 =	slt.s32 s13, s3  }
0x17: {  	s15 =	smov.u32 @p2 s13;
	p2 =	sne.s32 s12, s10  }
.Ltmp1:
0x18: {  	p1 =	slt.u32 s12, $0x2;
	(pc) =	sbr.rel @!p2 .LBB2_8-.Ltmp1, $4  }
0x19: {  	s14 =	simm.s32 @!p1 $0x3  }
0x1a: {  	s16 =	sadd.s32 $0x1, s12;
	_ =	swait.ge @!p1 [sflag:s14], $0x2800  }
0x1b: {  	p0 =	por !p0, !p0;
	s13 =	smov.u32 s11;
	[sflag:s14] =	ssyncset.done @!p1 $0x0  }
0x1c: {  	s12 =	smov.u32 s16;
	s11 =	smov.u32 s15;
	[sflag:s14] =	ssyncadd.s32 @!p1 $0xFFFFD800  }
.LBB2_1:
0x1d: {  	p1 =	sge.u32 s12, s8  }
0x1e: {  	s14 =	sxor.u32 @!p1 $0xFFFFFFFF, s12  }
0x1f: {  	s14 =	sand.u32 @!p1 $0x1, s14  }
0x20: {  	s14 =	smul.u32 @!p1 $0x140, s14  }
0x21: {  	s31 =	sadd.s32 $0xFFFFFFFF, s12;
	s15 =	sshrl.u32 @!p1 s11, $0x3  }
0x22: {  	s16 =	sand.u32 @!p1 $0x7, s11;
	s15 =	sadd.s32 @!p1 s5, s15;
	s14 =	sshrl.u32 @!p1 s14, $0x2  }
0x23: {  	[tilespmem:s14], [sflag:$0x2] =	stream.linear.gather @!p1 [hbm4b:s15+s16], $0x50, $0x38;
	[tilespmem:$0x50A0] =	vst v63  }
0x24: {  	p1 =	sge.u32 s31, s8  }
.Ltmp2:
0x25: {  	_ = 	snop;
	(pc) =	sbr.rel @p1 .LBB2_7-.Ltmp2, $1  }
0x26: {  	_ =	sdelay $0x3  }
0x27: {  	s14 =	simm.s32 $0x1  }
0x28: {  	s14 =	simm.s32 @!p0 $0x0  }
0x29: {  	s15 =	smul.u32 $0x140, s14  }
0x2a: {  	_ =	swait.ge [sflag:s7], $0x50  }
0x2b: {  	[sflag:s7] =	ssyncset.done $0x0;
	s16 =	sshrl.u32 s15, $0x2  }
0x2c: {  	[sflag:s7] =	ssyncadd.s32 $0xFFFFFFB0;
	s15 =	sadd.s32 $0x0, s16  }
0x2d: {  	v0 =	vld.msk [tilespmem:s15+$0x0 ss:$0x1], $0xffff;
	_ =	sdelay $0x4  }
0x2e: {  	vm2 =	vgt.s32 v0, $0x0  }
0x2f: {  	v0 =	vnsel vm2, $0x0, v0  }
0x30: {  	v0 =	vmin.u32 v0, $0x4E1F  }
0x31: {  	v0 =	vshll.u32 v0, $0x4  }
0x32: {  	s14 =	smul.u32 $0xA000, s14;
	_ =	sdelay $0x1  }
0x33: {  	s14 =	sshrl.u32 s14, $0x2  }
0x34: {  	s14 =	sor.u32 $0xA0, s14  }
0x35: {  	[tilespmem:s14], [sflag:$0x1] =	stream.indirect_vreg.gather [hbm:s4], $0x80, v0, vm0, $0x38;
	[tilespmem:$0x50A0] =	vst v63  }
0x36: {  	s17 =	sadd.s32 $0x10, s16;
	s15 =	sadd.s32 $0x400, s14  }
0x37: {  	[tilespmem:s15], [sflag:$0x1] =	stream.indirect_vreg.gather [hbm:s4], $0x80, v0, vm1, $0x38;
	[tilespmem:$0x50A0] =	vst v63  }
0x38: {  	s18 =	simm.s32 $0x80;
	v0 =	vld.msk [tilespmem:s17+$0x0 ss:$0x1], $0xffff;
	s17 =	smov.u32 s14  }
.LBB2_3:
0x39: {  	p1 =	sne.s32 s18, $0x100;
	_ =	sdelay $0x4  }
0x3a: {  	vm2 =	vgt.s32 v0, $0x0  }
0x3b: {  	v0 =	vnsel vm2, $0x0, v0  }
0x3c: {  	v0 =	vmin.u32 v0, $0x4E1F  }
0x3d: {  	v0 =	vshll.u32 v0, $0x4;
	_ =	sdelay $0x3  }
.Ltmp3:
0x3e: {  	s19 =	sshra.s32 s18, $0x2;
	s17 =	sadd.s32 $0x800, s17;
	(pc) =	sbr.rel @p1 .LBB2_3-.Ltmp3, $4  }
0x3f: {  	[tilespmem:s17], [sflag:$0x1] =	stream.indirect_vreg.gather [hbm:s4], $0x80, v0, vm0, $0x38;
	[tilespmem:$0x50A0] =	vst v63  }
0x40: {  	s19 =	sadd.s32 s19, s16;
	s20 =	sadd.s32 $0x400, s17  }
0x41: {  	[tilespmem:s20], [sflag:$0x1] =	stream.indirect_vreg.gather [hbm:s4], $0x80, v0, vm1, $0x38;
	[tilespmem:$0x50A0] =	vst v63  }
0x42: {  	s18 =	sadd.s32 $0x40, s18;
	v0 =	vld.msk [tilespmem:s19+$0x0 ss:$0x1], $0xffff  }
0x43: {  	_ =	sdelay $0x3  }
0x44: {  	vm2 =	vgt.s32 v0, $0x0  }
0x45: {  	v0 =	vnsel vm2, $0x0, v0  }
0x46: {  	v0 =	vmin.u32 v0, $0x4E1F  }
0x47: {  	v0 =	vshll.u32 v0, $0x4;
	_ =	sdelay $0x3  }
0x48: {  	s16 =	sadd.s32 $0x800, s17  }
0x49: {  	[tilespmem:s16], [sflag:$0x1] =	stream.indirect_vreg.gather [hbm:s4], $0x80, v0, vm0, $0x38;
	[tilespmem:$0x50A0] =	vst v63  }
0x4a: {  	s16 =	sadd.s32 $0x400, s16  }
0x4b: {  	[tilespmem:s16], [sflag:$0x1] =	stream.indirect_vreg.gather [hbm:s4], $0x80, v0, vm1, $0x38;
	[tilespmem:$0x50A0] =	vst v63  }
0x4c: {  	s13 =	sshll.u32 s13, $0x4;
	_ =	swait.ge [sflag:s6], $0x2800  }
0x4d: {  	s13 =	sadd.s32 s13, s9;
	[sflag:s6] =	ssyncset.done $0x0  }
0x4e: {  	s17 =	sadd.s32 $0x0, s13;
	s16 =	simm.s32 $0x80;
	[sflag:s6] =	ssyncadd.s32 $0xFFFFD800  }
.LBB2_5:
0x4f: {  	[hbm:s17] =	stream.linear.scatter [tilespmem:s14], [sflag:$0x3], $0x400, $0x38;
	[tilespmem:$0x50A0] =	vst v63  }
0x50: {  	s17 =	smov.u32 s16;
	s14 =	smov.u32 s15;
	p1 =	sne.s32 s16, $0x480  }
.Ltmp4:
0x51: {  	s16 =	sadd.s32 $0x80, s16;
	(pc) =	sbr.rel @p1 .LBB2_5-.Ltmp4, $2  }
0x52: {  	_ =	sdelay $0x2  }
0x53: {  	s15 =	sadd.s32 $0x400, s15;
	s17 =	sadd.s32 s17, s13  }
.Ltmp5:
0x54: {  	_ = 	snop;
	(pc) =	sbr.rel .LBB2_6-.Ltmp5, $1  }
0x55: {  	_ =	sdelay $0x3  }
.LBB2_8:
0x56: {  	_ =	sfence.sel $0x180000  }
0x57: {  	s1 =	simm.s32 $0x2;
	[bflag:$0x0] =	sbarrier.arrive $0xFFFF  }
0x58: {  	s30 =	simm.s32 $0x3;
	[sflag:s1] =	ssyncpa.u1 $0x1  }
0x59: {  	s31 =	simm.s32 $0x1;
	[sflag:s30] =	ssyncpa.u1 $0x1  }
0x5a: {  	[sflag:s31] =	ssyncpa.u1 $0x1  }
0x5b: {  	p0 =	sne.s32 s0, $0x0;
	_ =	strace $0x9000004A  }
0x5c: {  	s0 =	sadd.s32 @!p0 $0x100000, s2;
	[bflag:$0x2] =	sbarrier.arrive $0xFFFF  }
0x5d: {  	[sflag:s0] =	ssyncadd.tile.s32 @!p0 $0x1;
	_ =	shalt  }
.Lfunc_end2:
_tile_overlayer_lowered:
.L_overlay_start_2:
0x5e: {  	(tag) =	ssettag $0x2  }
0x5f: {  	s0 =	rddreg [dreg:$0x0];
	s2 =	stileid.u32  }
0x60: {  	s1 =	rddreg [dreg:$0x1];
	p0 =	sne.s32 s2, $0x0  }
0x61: {  	s3 =	rddreg [dreg:$0x2];
	[bflag:$0x3] =	sbarrier.arrive $0xFFFF;
	s2 =	simm.s32 @!p0 $0x1C01  }
0x62: {  	[timem:s3], [sflag:s2] =	dma.local @!p0 [hbm:s0], s1  }
0x63: {  	s0 =	simm.s32 @!p0 $0x1  }
0x64: {  	_ =	swait.ge @!p0 [sflag:s0], s1  }
0x65: {  	s1 =	ssub.s32 @!p0 $0x0, s1;
	[sflag:s0] =	ssyncset.done @!p0 $0x0  }
0x66: {  	[sflag:s0] =	ssyncadd.s32 @!p0 s1  }
0x67: {  	[bflag:$0x3] =	sbarrier.arrive $0xFFFF  }
0x68: {  	_ =	shalt  }

</sc_bundles>
